<compile_context>
chip_gen: v7x
topology: tpu7x:2x2x1
jax: 0.10.2.dev20260603
libtpu: 0.0.44.dev20260713+nightly
codegen_flags: <defaults>
</compile_context>

<pallas_src>
import functools

import jax
import jax.numpy as jnp
from jax import lax
from jax.experimental import pallas as pl
from jax.experimental.pallas import tpu as pltpu
from jax.experimental.pallas import tpu_sc as plsc

N_COMP = 6_400_000
N_MIX = 100_000
LANES = 16
N_CORES = 2
N_SUBCORES = 16
NW = N_CORES * N_SUBCORES

TC_ROWS = 50_000
TC_BLOCK_ROWS = 2_000
TC_GRID = 14
TC_ELEMS = TC_GRID * TC_BLOCK_ROWS * 128

SC_ELEMS = N_COMP - TC_ELEMS
PER_W = SC_ELEMS // NW
CHUNK = 17_600
SC_CHUNKS = PER_W // CHUNK
VECS_PER_CHUNK = CHUNK // LANES
UNROLL = 5
N_ACC = 4


def _sc_partials(y, g):
    per_w = PER_W
    mesh = plsc.VectorSubcoreMesh(core_axis_name="c", subcore_axis_name="s")

    @functools.partial(
        pl.kernel,
        out_type=jax.ShapeDtypeStruct((NW, LANES), jnp.float32),
        mesh=mesh,
        scratch_types=[
            pltpu.VMEM((CHUNK,), jnp.float32),
            pltpu.VMEM((CHUNK,), jnp.float32),
            pltpu.VMEM((CHUNK,), jnp.float32),
            pltpu.VMEM((CHUNK,), jnp.float32),
            pltpu.VMEM((LANES,), jnp.float32),
            pltpu.SemaphoreType.DMA,
            pltpu.SemaphoreType.DMA,
            pltpu.SemaphoreType.DMA,
            pltpu.SemaphoreType.DMA,
        ],
    )
    def k(y_hbm, g_hbm, out_hbm, ybuf0, ybuf1, gbuf0, gbuf1, accbuf, sy0, sy1, sg0, sg1):
        wid = lax.axis_index("s") * N_CORES + lax.axis_index("c")
        base = TC_ELEMS + wid * per_w
        ybufs = (ybuf0, ybuf1)
        gbufs = (gbuf0, gbuf1)
        sy = (sy0, sy1)
        sg = (sg0, sg1)

        def start(c, slot):
            off = base + c * CHUNK
            pltpu.async_copy(y_hbm.at[pl.ds(off, CHUNK)], ybufs[slot], sy[slot])
            pltpu.async_copy(g_hbm.at[pl.ds(off, CHUNK)], gbufs[slot], sg[slot])

        def wait(c, slot):
            off = base + c * CHUNK
            pltpu.make_async_copy(y_hbm.at[pl.ds(off, CHUNK)], ybufs[slot], sy[slot]).wait()
            pltpu.make_async_copy(g_hbm.at[pl.ds(off, CHUNK)], gbufs[slot], sg[slot]).wait()

        def compute(slot, accs):
            yb = ybufs[slot]
            gb = gbufs[slot]

            def vec_body(i, accs):
                accs = list(accs)
                for u in range(UNROLL):
                    o = i * (UNROLL * LANES) + u * LANES
                    d = yb[pl.ds(o, LANES)] - gb[pl.ds(o, LANES)]
                    accs[u % N_ACC] = accs[u % N_ACC] + d * d
                return tuple(accs)

            return lax.fori_loop(0, VECS_PER_CHUNK // UNROLL, vec_body, tuple(accs))

        start(0, 0)
        start(1, 1)
        accs = tuple(jnp.zeros((LANES,), jnp.float32) for _ in range(N_ACC))

        def pair_body(pi, accs):
            c = pi * 2
            for b in range(2):
                wait(c + b, b)

                @pl.when(c + b + 2 < SC_CHUNKS)
                def _(c=c, b=b):
                    start(c + b + 2, b)

                accs = compute(b, accs)
            return accs

        n_pairs = SC_CHUNKS // 2
        accs = lax.fori_loop(0, n_pairs, pair_body, accs)
        if SC_CHUNKS % 2:
            wait(SC_CHUNKS - 1, 0)
            accs = compute(0, accs)
        accs = list(accs)
        accbuf[...] = (accs[0] + accs[1]) + (accs[2] + accs[3])
        pltpu.sync_copy(accbuf, out_hbm.at[wid])

    return k(y, g)


def _tc_sum_sq(y2d, g2d):

    def body(y_ref, g_ref, o_ref):
        @pl.when(pl.program_id(0) == 0)
        def _():
            o_ref[0, 0] = 0.0

        d = y_ref[...] - g_ref[...]
        o_ref[0, 0] += jnp.sum(d * d)

    return pl.pallas_call(
        body,
        grid=(TC_GRID,),
        in_specs=[
            pl.BlockSpec((TC_BLOCK_ROWS, 128), lambda i: (i, 0)),
            pl.BlockSpec((TC_BLOCK_ROWS, 128), lambda i: (i, 0)),
        ],
        out_specs=pl.BlockSpec(memory_space=pltpu.SMEM),
        out_shape=jax.ShapeDtypeStruct((1, 1), jnp.float32),
    )(y2d, g2d)


def _combine(partials, tc_sum):

    def body(x_ref, t_ref, o_ref):
        o_ref[0, 0] = (jnp.sum(x_ref[...]) + t_ref[0, 0]) * (1.0 / N_MIX)

    return pl.pallas_call(
        body,
        in_specs=[
            pl.BlockSpec((NW, LANES), lambda: (0, 0)),
            pl.BlockSpec(memory_space=pltpu.SMEM),
        ],
        out_specs=pl.BlockSpec(memory_space=pltpu.SMEM),
        out_shape=jax.ShapeDtypeStruct((1, 1), jnp.float32),
    )(partials, tc_sum)


def kernel(y_pred, component_ln_gammas, component_batch_batch):
    del component_batch_batch
    partials = _sc_partials(y_pred, component_ln_gammas)
    tc_sum = _tc_sum_sq(
        y_pred.reshape(TC_ROWS, 128), component_ln_gammas.reshape(TC_ROWS, 128)
    )
    return _combine(partials, tc_sum)[0, 0]

# --- scband reference (transcript-rebuilt; emitter-appended) ---
"""Pipeline reference for scband-mix-mseloss-292057776853 (READ-ONLY COPY).

The authoritative reference and input builder live on the scoring server;
editing this copy changes nothing except your own understanding.
"""

import jax, jax.numpy as jnp
import numpy as np

N_COMPONENTS = 6400000
N_MIXTURES = 100000

def setup_inputs(seed: int = 0) -> dict:
    key = jax.random.key(seed)
    k1, k2, k3 = jax.random.split(key, 3)
    y_pred = jax.random.normal(k1, (N_COMPONENTS,), dtype=jnp.float32)
    component_ln_gammas = jax.random.normal(k2, (N_COMPONENTS,), dtype=jnp.float32)
    component_batch_batch = jnp.sort(jax.random.randint(k3, (N_COMPONENTS,), 0, N_MIXTURES, dtype=jnp.int64))
    return {
        "y_pred": y_pred,
        "component_ln_gammas": component_ln_gammas,
        "component_batch_batch": component_batch_batch,
    }

def reference(y_pred, component_ln_gammas, component_batch_batch):
    # squared error per component
    squared_errors = jnp.square(y_pred - component_ln_gammas)
    # scatter_add over mixture index (segment sum)
    summed_mixture_errors = jax.ops.segment_sum(
        squared_errors, component_batch_batch, num_segments=N_MIXTURES
    )
    # mean over mixtures
    loss = jnp.mean(summed_mixture_errors)
    return loss

if __name__ == "__main__":
    import jax
    _d = setup_inputs()
    print(jax.jit(kernel)(*tuple(_d.values())))

</pallas_src>

<mosaic_0001>
#map = affine_map<(d0, d1) -> (0)>
#map1 = affine_map<(d0, d1) -> (0, 0)>
module attributes {stable_mosaic.version = 14 : i64} {
  func.func @k(%arg0: i32, %arg1: i32, %arg2: memref<6400000xf32, #tpu.memory_space<hbm>>, %arg3: memref<6400000xf32, #tpu.memory_space<hbm>>, %arg4: memref<32x16xf32, #tpu.memory_space<hbm>>, %arg5: memref<17600xf32, #tpu.memory_space<vmem>>, %arg6: memref<17600xf32, #tpu.memory_space<vmem>>, %arg7: memref<17600xf32, #tpu.memory_space<vmem>>, %arg8: memref<17600xf32, #tpu.memory_space<vmem>>, %arg9: memref<16xf32, #tpu.memory_space<vmem>>, %arg10: memref<!tpu.dma_semaphore, #tpu.memory_space<semaphore_mem>>, %arg11: memref<!tpu.dma_semaphore, #tpu.memory_space<semaphore_mem>>, %arg12: memref<!tpu.dma_semaphore, #tpu.memory_space<semaphore_mem>>, %arg13: memref<!tpu.dma_semaphore, #tpu.memory_space<semaphore_mem>>) attributes {dimension_semantics = [#tpu.dimension_semantics<core_parallel>, #tpu.dimension_semantics<subcore_parallel>], iteration_bounds = array<i64: 2, 16>, scalar_prefetch = 0 : i64, scratch_operands = 9 : i64, tpu.core_type = #tpu.core_type<sc_vector_subcore>, window_params = [{transform_indices = #map}, {transform_indices = #map}, {transform_indices = #map1}]} {
    %mul3A = arith.constant 2 : i32
    %mul3A_0 = arith.muli %arg1, %mul3A : i32
    %add3A = arith.addi %mul3A_0, %arg0 : i32
    %mul3A_1 = arith.constant 88000 : i32
    %mul3A_2 = arith.muli %add3A, %mul3A_1 : i32
    %add3A_3 = arith.constant 3584000 : i32
    %add3A_4 = arith.addi %add3A_3, %mul3A_2 : i32
    %add3A_5 = arith.constant 0 : i32
    %add3A_6 = arith.addi %add3A_4, %add3A_5 : i32
    %dma_start3A = tpu.memref_slice %arg2[%add3A_6] : memref<6400000xf32, #tpu.memory_space<hbm>> -> memref<17600xf32, #tpu.memory_space<hbm>>
    %dma_start3A_7 = tpu.memref_slice %arg2[%add3A_6] : memref<6400000xf32, #tpu.memory_space<hbm>> -> memref<17600xf32, #tpu.memory_space<hbm>>
    tpu.enqueue_dma source(%dma_start3A_7 : memref<17600xf32, #tpu.memory_space<hbm>>) target(%arg5 : memref<17600xf32, #tpu.memory_space<vmem>>) target_semaphore(%arg10 : memref<!tpu.dma_semaphore, #tpu.memory_space<semaphore_mem>>)
    %dma_start3A_8 = tpu.memref_slice %arg3[%add3A_6] : memref<6400000xf32, #tpu.memory_space<hbm>> -> memref<17600xf32, #tpu.memory_space<hbm>>
    %dma_start3A_9 = tpu.memref_slice %arg3[%add3A_6] : memref<6400000xf32, #tpu.memory_space<hbm>> -> memref<17600xf32, #tpu.memory_space<hbm>>
    tpu.enqueue_dma source(%dma_start3A_9 : memref<17600xf32, #tpu.memory_space<hbm>>) target(%arg7 : memref<17600xf32, #tpu.memory_space<vmem>>) target_semaphore(%arg12 : memref<!tpu.dma_semaphore, #tpu.memory_space<semaphore_mem>>)
    %add3A_10 = arith.constant 17600 : i32
    %add3A_11 = arith.addi %add3A_4, %add3A_10 : i32
    %dma_start3A_12 = tpu.memref_slice %arg2[%add3A_11] : memref<6400000xf32, #tpu.memory_space<hbm>> -> memref<17600xf32, #tpu.memory_space<hbm>>
    %dma_start3A_13 = tpu.memref_slice %arg2[%add3A_11] : memref<6400000xf32, #tpu.memory_space<hbm>> -> memref<17600xf32, #tpu.memory_space<hbm>>
    tpu.enqueue_dma source(%dma_start3A_13 : memref<17600xf32, #tpu.memory_space<hbm>>) target(%arg6 : memref<17600xf32, #tpu.memory_space<vmem>>) target_semaphore(%arg11 : memref<!tpu.dma_semaphore, #tpu.memory_space<semaphore_mem>>)
    %dma_start3A_14 = tpu.memref_slice %arg3[%add3A_11] : memref<6400000xf32, #tpu.memory_space<hbm>> -> memref<17600xf32, #tpu.memory_space<hbm>>
    %dma_start3A_15 = tpu.memref_slice %arg3[%add3A_11] : memref<6400000xf32, #tpu.memory_space<hbm>> -> memref<17600xf32, #tpu.memory_space<hbm>>
    tpu.enqueue_dma source(%dma_start3A_15 : memref<17600xf32, #tpu.memory_space<hbm>>) target(%arg8 : memref<17600xf32, #tpu.memory_space<vmem>>) target_semaphore(%arg13 : memref<!tpu.dma_semaphore, #tpu.memory_space<semaphore_mem>>)
    %broadcast_in_dim3A = arith.constant 0.000000e+00 : f32
    %broadcast_in_dim3A_16 = vector.broadcast %broadcast_in_dim3A : f32 to vector<16xf32>
    %broadcast_in_dim3A_17 = arith.constant 0.000000e+00 : f32
    %broadcast_in_dim3A_18 = vector.broadcast %broadcast_in_dim3A_17 : f32 to vector<16xf32>
    %broadcast_in_dim3A_19 = arith.constant 0.000000e+00 : f32
    %broadcast_in_dim3A_20 = vector.broadcast %broadcast_in_dim3A_19 : f32 to vector<16xf32>
    %broadcast_in_dim3A_21 = arith.constant 0.000000e+00 : f32
    %broadcast_in_dim3A_22 = vector.broadcast %broadcast_in_dim3A_21 : f32 to vector<16xf32>
    %scan3A = arith.constant 0 : i32
    %scan3A_23 = arith.constant 2 : i32
    %scan3A_24 = arith.addi %scan3A, %scan3A_23 : i32
    %scan3A_25 = arith.constant 1 : i32
    %scan3A_26:4 = scf.for %scan3A_45 = %scan3A to %scan3A_24 step %scan3A_25 iter_args(%scan3A_46 = %broadcast_in_dim3A_16, %scan3A_47 = %broadcast_in_dim3A_18, %scan3A_48 = %broadcast_in_dim3A_20, %scan3A_49 = %broadcast_in_dim3A_22) -> (vector<16xf32>, vector<16xf32>, vector<16xf32>, vector<16xf32>)  : i32 {
      %mul3A_50 = arith.constant 2 : i32
      %mul3A_51 = arith.muli %scan3A_45, %mul3A_50 : i32
      %add3A_52 = arith.constant 0 : i32
      %add3A_53 = arith.addi %mul3A_51, %add3A_52 : i32
      %mul3A_54 = arith.constant 17600 : i32
      %mul3A_55 = arith.muli %add3A_53, %mul3A_54 : i32
      %add3A_56 = arith.addi %add3A_4, %mul3A_55 : i32
      %dma_wait3A_57 = tpu.memref_slice %arg2[%add3A_56] : memref<6400000xf32, #tpu.memory_space<hbm>> -> memref<17600xf32, #tpu.memory_space<hbm>>
      %dma_wait3A_58 = tpu.memref_slice %arg2[%add3A_56] : memref<6400000xf32, #tpu.memory_space<hbm>> -> memref<17600xf32, #tpu.memory_space<hbm>>
      tpu.wait_dma2 semaphore(%arg10 : memref<!tpu.dma_semaphore, #tpu.memory_space<semaphore_mem>>) src(%dma_wait3A_58 : memref<17600xf32, #tpu.memory_space<hbm>>) dst(%arg5 : memref<17600xf32, #tpu.memory_space<vmem>>)
      %dma_wait3A_59 = tpu.memref_slice %arg3[%add3A_56] : memref<6400000xf32, #tpu.memory_space<hbm>> -> memref<17600xf32, #tpu.memory_space<hbm>>
      %dma_wait3A_60 = tpu.memref_slice %arg3[%add3A_56] : memref<6400000xf32, #tpu.memory_space<hbm>> -> memref<17600xf32, #tpu.memory_space<hbm>>
      tpu.wait_dma2 semaphore(%arg12 : memref<!tpu.dma_semaphore, #tpu.memory_space<semaphore_mem>>) src(%dma_wait3A_60 : memref<17600xf32, #tpu.memory_space<hbm>>) dst(%arg7 : memref<17600xf32, #tpu.memory_space<vmem>>)
      %add3A_61 = arith.constant 0 : i32
      %add3A_62 = arith.addi %mul3A_51, %add3A_61 : i32
      %add3A_63 = arith.constant 2 : i32
      %add3A_64 = arith.addi %add3A_62, %add3A_63 : i32
      %lt3A = arith.constant 5 : i32
      %lt3A_65 = arith.cmpi slt, %add3A_64, %lt3A : i32
      %convert_element_type3A = arith.extui %lt3A_65 : i1 to i32
      %cond3A = arith.constant 0 : i32
      %cond3A_66 = arith.cmpi ne, %convert_element_type3A, %cond3A : i32
      scf.if %cond3A_66 {
        %add3A_97 = arith.constant 0 : i32
        %add3A_98 = arith.addi %mul3A_51, %add3A_97 : i32
        %add3A_99 = arith.constant 2 : i32
        %add3A_100 = arith.addi %add3A_98, %add3A_99 : i32
        %mul3A_101 = arith.constant 17600 : i32
        %mul3A_102 = arith.muli %add3A_100, %mul3A_101 : i32
        %add3A_103 = arith.addi %add3A_4, %mul3A_102 : i32
        %dma_start3A_104 = tpu.memref_slice %arg2[%add3A_103] : memref<6400000xf32, #tpu.memory_space<hbm>> -> memref<17600xf32, #tpu.memory_space<hbm>>
        %dma_start3A_105 = tpu.memref_slice %arg2[%add3A_103] : memref<6400000xf32, #tpu.memory_space<hbm>> -> memref<17600xf32, #tpu.memory_space<hbm>>
        tpu.enqueue_dma source(%dma_start3A_105 : memref<17600xf32, #tpu.memory_space<hbm>>) target(%arg5 : memref<17600xf32, #tpu.memory_space<vmem>>) target_semaphore(%arg10 : memref<!tpu.dma_semaphore, #tpu.memory_space<semaphore_mem>>)
        %dma_start3A_106 = tpu.memref_slice %arg3[%add3A_103] : memref<6400000xf32, #tpu.memory_space<hbm>> -> memref<17600xf32, #tpu.memory_space<hbm>>
        %dma_start3A_107 = tpu.memref_slice %arg3[%add3A_103] : memref<6400000xf32, #tpu.memory_space<hbm>> -> memref<17600xf32, #tpu.memory_space<hbm>>
        tpu.enqueue_dma source(%dma_start3A_107 : memref<17600xf32, #tpu.memory_space<hbm>>) target(%arg7 : memref<17600xf32, #tpu.memory_space<vmem>>) target_semaphore(%arg12 : memref<!tpu.dma_semaphore, #tpu.memory_space<semaphore_mem>>)
      } else {
      }
      %scan3A_67 = arith.constant 0 : i32
      %scan3A_68 = arith.constant 220 : i32
      %scan3A_69 = arith.addi %scan3A_67, %scan3A_68 : i32
      %scan3A_70 = arith.constant 1 : i32
      %scan3A_71:4 = scf.for %scan3A_97 = %scan3A_67 to %scan3A_69 step %scan3A_70 iter_args(%scan3A_98 = %scan3A_46, %scan3A_99 = %scan3A_47, %scan3A_100 = %scan3A_48, %scan3A_101 = %scan3A_49) -> (vector<16xf32>, vector<16xf32>, vector<16xf32>, vector<16xf32>)  : i32 {
        %mul3A_102 = arith.constant 80 : i32
        %mul3A_103 = arith.muli %scan3A_97, %mul3A_102 : i32
        %add3A_104 = arith.constant 0 : i32
        %add3A_105 = arith.addi %mul3A_103, %add3A_104 : i32
        %get3A = arith.index_cast %add3A_105 : i32 to index
        %get3A_106 = tpu.vector_load %arg5[%get3A] {strides = array<i32>} : memref<17600xf32, #tpu.memory_space<vmem>>, vector<16xf32>,
        %get3A_107 = vector.shape_cast %get3A_106 : vector<16xf32> to vector<16xf32>
        %get3A_108 = arith.index_cast %add3A_105 : i32 to index
        %get3A_109 = tpu.vector_load %arg7[%get3A_108] {strides = array<i32>} : memref<17600xf32, #tpu.memory_space<vmem>>, vector<16xf32>,
        %get3A_110 = vector.shape_cast %get3A_109 : vector<16xf32> to vector<16xf32>
        %sub3A = arith.subf %get3A_107, %get3A_110 : vector<16xf32>
        %mul3A_111 = arith.mulf %sub3A, %sub3A : vector<16xf32>
        %add3A_112 = arith.addf %scan3A_98, %mul3A_111 : vector<16xf32>
        %mul3A_113 = arith.constant 80 : i32
        %mul3A_114 = arith.muli %scan3A_97, %mul3A_113 : i32
        %add3A_115 = arith.constant 16 : i32
        %add3A_116 = arith.addi %mul3A_114, %add3A_115 : i32
        %get3A_117 = arith.index_cast %add3A_116 : i32 to index
        %get3A_118 = tpu.vector_load %arg5[%get3A_117] {strides = array<i32>} : memref<17600xf32, #tpu.memory_space<vmem>>, vector<16xf32>,
        %get3A_119 = vector.shape_cast %get3A_118 : vector<16xf32> to vector<16xf32>
        %get3A_120 = arith.index_cast %add3A_116 : i32 to index
        %get3A_121 = tpu.vector_load %arg7[%get3A_120] {strides = array<i32>} : memref<17600xf32, #tpu.memory_space<vmem>>, vector<16xf32>,
        %get3A_122 = vector.shape_cast %get3A_121 : vector<16xf32> to vector<16xf32>
        %sub3A_123 = arith.subf %get3A_119, %get3A_122 : vector<16xf32>
        %mul3A_124 = arith.mulf %sub3A_123, %sub3A_123 : vector<16xf32>
        %add3A_125 = arith.addf %scan3A_99, %mul3A_124 : vector<16xf32>
        %mul3A_126 = arith.constant 80 : i32
        %mul3A_127 = arith.muli %scan3A_97, %mul3A_126 : i32
        %add3A_128 = arith.constant 32 : i32
        %add3A_129 = arith.addi %mul3A_127, %add3A_128 : i32
        %get3A_130 = arith.index_cast %add3A_129 : i32 to index
        %get3A_131 = tpu.vector_load %arg5[%get3A_130] {strides = array<i32>} : memref<17600xf32, #tpu.memory_space<vmem>>, vector<16xf32>,
        %get3A_132 = vector.shape_cast %get3A_131 : vector<16xf32> to vector<16xf32>
        %get3A_133 = arith.index_cast %add3A_129 : i32 to index
        %get3A_134 = tpu.vector_load %arg7[%get3A_133] {strides = array<i32>} : memref<17600xf32, #tpu.memory_space<vmem>>, vector<16xf32>,
        %get3A_135 = vector.shape_cast %get3A_134 : vector<16xf32> to vector<16xf32>
        %sub3A_136 = arith.subf %get3A_132, %get3A_135 : vector<16xf32>
        %mul3A_137 = arith.mulf %sub3A_136, %sub3A_136 : vector<16xf32>
        %add3A_138 = arith.addf %scan3A_100, %mul3A_137 : vector<16xf32>
        %mul3A_139 = arith.constant 80 : i32
        %mul3A_140 = arith.muli %scan3A_97, %mul3A_139 : i32
        %add3A_141 = arith.constant 48 : i32
        %add3A_142 = arith.addi %mul3A_140, %add3A_141 : i32
        %get3A_143 = arith.index_cast %add3A_142 : i32 to index
        %get3A_144 = tpu.vector_load %arg5[%get3A_143] {strides = array<i32>} : memref<17600xf32, #tpu.memory_space<vmem>>, vector<16xf32>,
        %get3A_145 = vector.shape_cast %get3A_144 : vector<16xf32> to vector<16xf32>
        %get3A_146 = arith.index_cast %add3A_142 : i32 to index
        %get3A_147 = tpu.vector_load %arg7[%get3A_146] {strides = array<i32>} : memref<17600xf32, #tpu.memory_space<vmem>>, vector<16xf32>,
        %get3A_148 = vector.shape_cast %get3A_147 : vector<16xf32> to vector<16xf32>
        %sub3A_149 = arith.subf %get3A_145, %get3A_148 : vector<16xf32>
        %mul3A_150 = arith.mulf %sub3A_149, %sub3A_149 : vector<16xf32>
        %add3A_151 = arith.addf %scan3A_101, %mul3A_150 : vector<16xf32>
        %mul3A_152 = arith.constant 80 : i32
        %mul3A_153 = arith.muli %scan3A_97, %mul3A_152 : i32
        %add3A_154 = arith.constant 64 : i32
        %add3A_155 = arith.addi %mul3A_153, %add3A_154 : i32
        %get3A_156 = arith.index_cast %add3A_155 : i32 to index
        %get3A_157 = tpu.vector_load %arg5[%get3A_156] {strides = array<i32>} : memref<17600xf32, #tpu.memory_space<vmem>>, vector<16xf32>,
        %get3A_158 = vector.shape_cast %get3A_157 : vector<16xf32> to vector<16xf32>
        %get3A_159 = arith.index_cast %add3A_155 : i32 to index
        %get3A_160 = tpu.vector_load %arg7[%get3A_159] {strides = array<i32>} : memref<17600xf32, #tpu.memory_space<vmem>>, vector<16xf32>,
        %get3A_161 = vector.shape_cast %get3A_160 : vector<16xf32> to vector<16xf32>
        %sub3A_162 = arith.subf %get3A_158, %get3A_161 : vector<16xf32>
        %mul3A_163 = arith.mulf %sub3A_162, %sub3A_162 : vector<16xf32>
        %add3A_164 = arith.addf %add3A_112, %mul3A_163 : vector<16xf32>
        scf.yield %add3A_164, %add3A_125, %add3A_138, %add3A_151 : vector<16xf32>, vector<16xf32>, vector<16xf32>, vector<16xf32>
      }
      %scan3A_72 = arith.constant 220 : i32
      %add3A_73 = arith.constant 1 : i32
      %add3A_74 = arith.addi %mul3A_51, %add3A_73 : i32
      %mul3A_75 = arith.constant 17600 : i32
      %mul3A_76 = arith.muli %add3A_74, %mul3A_75 : i32
      %add3A_77 = arith.addi %add3A_4, %mul3A_76 : i32
      %dma_wait3A_78 = tpu.memref_slice %arg2[%add3A_77] : memref<6400000xf32, #tpu.memory_space<hbm>> -> memref<17600xf32, #tpu.memory_space<hbm>>
      %dma_wait3A_79 = tpu.memref_slice %arg2[%add3A_77] : memref<6400000xf32, #tpu.memory_space<hbm>> -> memref<17600xf32, #tpu.memory_space<hbm>>
      tpu.wait_dma2 semaphore(%arg11 : memref<!tpu.dma_semaphore, #tpu.memory_space<semaphore_mem>>) src(%dma_wait3A_79 : memref<17600xf32, #tpu.memory_space<hbm>>) dst(%arg6 : memref<17600xf32, #tpu.memory_space<vmem>>)
      %dma_wait3A_80 = tpu.memref_slice %arg3[%add3A_77] : memref<6400000xf32, #tpu.memory_space<hbm>> -> memref<17600xf32, #tpu.memory_space<hbm>>
      %dma_wait3A_81 = tpu.memref_slice %arg3[%add3A_77] : memref<6400000xf32, #tpu.memory_space<hbm>> -> memref<17600xf32, #tpu.memory_space<hbm>>
      tpu.wait_dma2 semaphore(%arg13 : memref<!tpu.dma_semaphore, #tpu.memory_space<semaphore_mem>>) src(%dma_wait3A_81 : memref<17600xf32, #tpu.memory_space<hbm>>) dst(%arg8 : memref<17600xf32, #tpu.memory_space<vmem>>)
      %add3A_82 = arith.constant 1 : i32
      %add3A_83 = arith.addi %mul3A_51, %add3A_82 : i32
      %add3A_84 = arith.constant 2 : i32
      %add3A_85 = arith.addi %add3A_83, %add3A_84 : i32
      %lt3A_86 = arith.constant 5 : i32
      %lt3A_87 = arith.cmpi slt, %add3A_85, %lt3A_86 : i32
      %convert_element_type3A_88 = arith.extui %lt3A_87 : i1 to i32
      %cond3A_89 = arith.constant 0 : i32
      %cond3A_90 = arith.cmpi ne, %convert_element_type3A_88, %cond3A_89 : i32
      scf.if %cond3A_90 {
        %add3A_97 = arith.constant 1 : i32
        %add3A_98 = arith.addi %mul3A_51, %add3A_97 : i32
        %add3A_99 = arith.constant 2 : i32
        %add3A_100 = arith.addi %add3A_98, %add3A_99 : i32
        %mul3A_101 = arith.constant 17600 : i32
        %mul3A_102 = arith.muli %add3A_100, %mul3A_101 : i32
        %add3A_103 = arith.addi %add3A_4, %mul3A_102 : i32
        %dma_start3A_104 = tpu.memref_slice %arg2[%add3A_103] : memref<6400000xf32, #tpu.memory_space<hbm>> -> memref<17600xf32, #tpu.memory_space<hbm>>
        %dma_start3A_105 = tpu.memref_slice %arg2[%add3A_103] : memref<6400000xf32, #tpu.memory_space<hbm>> -> memref<17600xf32, #tpu.memory_space<hbm>>
        tpu.enqueue_dma source(%dma_start3A_105 : memref<17600xf32, #tpu.memory_space<hbm>>) target(%arg6 : memref<17600xf32, #tpu.memory_space<vmem>>) target_semaphore(%arg11 : memref<!tpu.dma_semaphore, #tpu.memory_space<semaphore_mem>>)
        %dma_start3A_106 = tpu.memref_slice %arg3[%add3A_103] : memref<6400000xf32, #tpu.memory_space<hbm>> -> memref<17600xf32, #tpu.memory_space<hbm>>
        %dma_start3A_107 = tpu.memref_slice %arg3[%add3A_103] : memref<6400000xf32, #tpu.memory_space<hbm>> -> memref<17600xf32, #tpu.memory_space<hbm>>
        tpu.enqueue_dma source(%dma_start3A_107 : memref<17600xf32, #tpu.memory_space<hbm>>) target(%arg8 : memref<17600xf32, #tpu.memory_space<vmem>>) target_semaphore(%arg13 : memref<!tpu.dma_semaphore, #tpu.memory_space<semaphore_mem>>)
      } else {
      }
      %scan3A_91 = arith.constant 0 : i32
      %scan3A_92 = arith.constant 220 : i32
      %scan3A_93 = arith.addi %scan3A_91, %scan3A_92 : i32
      %scan3A_94 = arith.constant 1 : i32
      %scan3A_95:4 = scf.for %scan3A_97 = %scan3A_91 to %scan3A_93 step %scan3A_94 iter_args(%scan3A_98 = %scan3A_71#0, %scan3A_99 = %scan3A_71#1, %scan3A_100 = %scan3A_71#2, %scan3A_101 = %scan3A_71#3) -> (vector<16xf32>, vector<16xf32>, vector<16xf32>, vector<16xf32>)  : i32 {
        %mul3A_102 = arith.constant 80 : i32
        %mul3A_103 = arith.muli %scan3A_97, %mul3A_102 : i32
        %add3A_104 = arith.constant 0 : i32
        %add3A_105 = arith.addi %mul3A_103, %add3A_104 : i32
        %get3A = arith.index_cast %add3A_105 : i32 to index
        %get3A_106 = tpu.vector_load %arg6[%get3A] {strides = array<i32>} : memref<17600xf32, #tpu.memory_space<vmem>>, vector<16xf32>,
        %get3A_107 = vector.shape_cast %get3A_106 : vector<16xf32> to vector<16xf32>
        %get3A_108 = arith.index_cast %add3A_105 : i32 to index
        %get3A_109 = tpu.vector_load %arg8[%get3A_108] {strides = array<i32>} : memref<17600xf32, #tpu.memory_space<vmem>>, vector<16xf32>,
        %get3A_110 = vector.shape_cast %get3A_109 : vector<16xf32> to vector<16xf32>
        %sub3A = arith.subf %get3A_107, %get3A_110 : vector<16xf32>
        %mul3A_111 = arith.mulf %sub3A, %sub3A : vector<16xf32>
        %add3A_112 = arith.addf %scan3A_98, %mul3A_111 : vector<16xf32>
        %mul3A_113 = arith.constant 80 : i32
        %mul3A_114 = arith.muli %scan3A_97, %mul3A_113 : i32
        %add3A_115 = arith.constant 16 : i32
        %add3A_116 = arith.addi %mul3A_114, %add3A_115 : i32
        %get3A_117 = arith.index_cast %add3A_116 : i32 to index
        %get3A_118 = tpu.vector_load %arg6[%get3A_117] {strides = array<i32>} : memref<17600xf32, #tpu.memory_space<vmem>>, vector<16xf32>,
        %get3A_119 = vector.shape_cast %get3A_118 : vector<16xf32> to vector<16xf32>
        %get3A_120 = arith.index_cast %add3A_116 : i32 to index
        %get3A_121 = tpu.vector_load %arg8[%get3A_120] {strides = array<i32>} : memref<17600xf32, #tpu.memory_space<vmem>>, vector<16xf32>,
        %get3A_122 = vector.shape_cast %get3A_121 : vector<16xf32> to vector<16xf32>
        %sub3A_123 = arith.subf %get3A_119, %get3A_122 : vector<16xf32>
        %mul3A_124 = arith.mulf %sub3A_123, %sub3A_123 : vector<16xf32>
        %add3A_125 = arith.addf %scan3A_99, %mul3A_124 : vector<16xf32>
        %mul3A_126 = arith.constant 80 : i32
        %mul3A_127 = arith.muli %scan3A_97, %mul3A_126 : i32
        %add3A_128 = arith.constant 32 : i32
        %add3A_129 = arith.addi %mul3A_127, %add3A_128 : i32
        %get3A_130 = arith.index_cast %add3A_129 : i32 to index
        %get3A_131 = tpu.vector_load %arg6[%get3A_130] {strides = array<i32>} : memref<17600xf32, #tpu.memory_space<vmem>>, vector<16xf32>,
        %get3A_132 = vector.shape_cast %get3A_131 : vector<16xf32> to vector<16xf32>
        %get3A_133 = arith.index_cast %add3A_129 : i32 to index
        %get3A_134 = tpu.vector_load %arg8[%get3A_133] {strides = array<i32>} : memref<17600xf32, #tpu.memory_space<vmem>>, vector<16xf32>,
        %get3A_135 = vector.shape_cast %get3A_134 : vector<16xf32> to vector<16xf32>
        %sub3A_136 = arith.subf %get3A_132, %get3A_135 : vector<16xf32>
        %mul3A_137 = arith.mulf %sub3A_136, %sub3A_136 : vector<16xf32>
        %add3A_138 = arith.addf %scan3A_100, %mul3A_137 : vector<16xf32>
        %mul3A_139 = arith.constant 80 : i32
        %mul3A_140 = arith.muli %scan3A_97, %mul3A_139 : i32
        %add3A_141 = arith.constant 48 : i32
        %add3A_142 = arith.addi %mul3A_140, %add3A_141 : i32
        %get3A_143 = arith.index_cast %add3A_142 : i32 to index
        %get3A_144 = tpu.vector_load %arg6[%get3A_143] {strides = array<i32>} : memref<17600xf32, #tpu.memory_space<vmem>>, vector<16xf32>,
        %get3A_145 = vector.shape_cast %get3A_144 : vector<16xf32> to vector<16xf32>
        %get3A_146 = arith.index_cast %add3A_142 : i32 to index
        %get3A_147 = tpu.vector_load %arg8[%get3A_146] {strides = array<i32>} : memref<17600xf32, #tpu.memory_space<vmem>>, vector<16xf32>,
        %get3A_148 = vector.shape_cast %get3A_147 : vector<16xf32> to vector<16xf32>
        %sub3A_149 = arith.subf %get3A_145, %get3A_148 : vector<16xf32>
        %mul3A_150 = arith.mulf %sub3A_149, %sub3A_149 : vector<16xf32>
        %add3A_151 = arith.addf %scan3A_101, %mul3A_150 : vector<16xf32>
        %mul3A_152 = arith.constant 80 : i32
        %mul3A_153 = arith.muli %scan3A_97, %mul3A_152 : i32
        %add3A_154 = arith.constant 64 : i32
        %add3A_155 = arith.addi %mul3A_153, %add3A_154 : i32
        %get3A_156 = arith.index_cast %add3A_155 : i32 to index
        %get3A_157 = tpu.vector_load %arg6[%get3A_156] {strides = array<i32>} : memref<17600xf32, #tpu.memory_space<vmem>>, vector<16xf32>,
        %get3A_158 = vector.shape_cast %get3A_157 : vector<16xf32> to vector<16xf32>
        %get3A_159 = arith.index_cast %add3A_155 : i32 to index
        %get3A_160 = tpu.vector_load %arg8[%get3A_159] {strides = array<i32>} : memref<17600xf32, #tpu.memory_space<vmem>>, vector<16xf32>,
        %get3A_161 = vector.shape_cast %get3A_160 : vector<16xf32> to vector<16xf32>
        %sub3A_162 = arith.subf %get3A_158, %get3A_161 : vector<16xf32>
        %mul3A_163 = arith.mulf %sub3A_162, %sub3A_162 : vector<16xf32>
        %add3A_164 = arith.addf %add3A_112, %mul3A_163 : vector<16xf32>
        scf.yield %add3A_164, %add3A_125, %add3A_138, %add3A_151 : vector<16xf32>, vector<16xf32>, vector<16xf32>, vector<16xf32>
      }
      %scan3A_96 = arith.constant 220 : i32
      scf.yield %scan3A_95#0, %scan3A_95#1, %scan3A_95#2, %scan3A_95#3 : vector<16xf32>, vector<16xf32>, vector<16xf32>, vector<16xf32>
    }
    %scan3A_27 = arith.constant 2 : i32
    %add3A_28 = arith.constant 70400 : i32
    %add3A_29 = arith.addi %add3A_4, %add3A_28 : i32
    %dma_wait3A = tpu.memref_slice %arg2[%add3A_29] : memref<6400000xf32, #tpu.memory_space<hbm>> -> memref<17600xf32, #tpu.memory_space<hbm>>
    %dma_wait3A_30 = tpu.memref_slice %arg2[%add3A_29] : memref<6400000xf32, #tpu.memory_space<hbm>> -> memref<17600xf32, #tpu.memory_space<hbm>>
    tpu.wait_dma2 semaphore(%arg10 : memref<!tpu.dma_semaphore, #tpu.memory_space<semaphore_mem>>) src(%dma_wait3A_30 : memref<17600xf32, #tpu.memory_space<hbm>>) dst(%arg5 : memref<17600xf32, #tpu.memory_space<vmem>>)
    %dma_wait3A_31 = tpu.memref_slice %arg3[%add3A_29] : memref<6400000xf32, #tpu.memory_space<hbm>> -> memref<17600xf32, #tpu.memory_space<hbm>>
    %dma_wait3A_32 = tpu.memref_slice %arg3[%add3A_29] : memref<6400000xf32, #tpu.memory_space<hbm>> -> memref<17600xf32, #tpu.memory_space<hbm>>
    tpu.wait_dma2 semaphore(%arg12 : memref<!tpu.dma_semaphore, #tpu.memory_space<semaphore_mem>>) src(%dma_wait3A_32 : memref<17600xf32, #tpu.memory_space<hbm>>) dst(%arg7 : memref<17600xf32, #tpu.memory_space<vmem>>)
    %scan3A_33 = arith.constant 0 : i32
    %scan3A_34 = arith.constant 220 : i32
    %scan3A_35 = arith.addi %scan3A_33, %scan3A_34 : i32
    %scan3A_36 = arith.constant 1 : i32
    %scan3A_37:4 = scf.for %scan3A_45 = %scan3A_33 to %scan3A_35 step %scan3A_36 iter_args(%scan3A_46 = %scan3A_26#0, %scan3A_47 = %scan3A_26#1, %scan3A_48 = %scan3A_26#2, %scan3A_49 = %scan3A_26#3) -> (vector<16xf32>, vector<16xf32>, vector<16xf32>, vector<16xf32>)  : i32 {
      %mul3A_50 = arith.constant 80 : i32
      %mul3A_51 = arith.muli %scan3A_45, %mul3A_50 : i32
      %add3A_52 = arith.constant 0 : i32
      %add3A_53 = arith.addi %mul3A_51, %add3A_52 : i32
      %get3A = arith.index_cast %add3A_53 : i32 to index
      %get3A_54 = tpu.vector_load %arg5[%get3A] {strides = array<i32>} : memref<17600xf32, #tpu.memory_space<vmem>>, vector<16xf32>,
      %get3A_55 = vector.shape_cast %get3A_54 : vector<16xf32> to vector<16xf32>
      %get3A_56 = arith.index_cast %add3A_53 : i32 to index
      %get3A_57 = tpu.vector_load %arg7[%get3A_56] {strides = array<i32>} : memref<17600xf32, #tpu.memory_space<vmem>>, vector<16xf32>,
      %get3A_58 = vector.shape_cast %get3A_57 : vector<16xf32> to vector<16xf32>
      %sub3A = arith.subf %get3A_55, %get3A_58 : vector<16xf32>
      %mul3A_59 = arith.mulf %sub3A, %sub3A : vector<16xf32>
      %add3A_60 = arith.addf %scan3A_46, %mul3A_59 : vector<16xf32>
      %mul3A_61 = arith.constant 80 : i32
      %mul3A_62 = arith.muli %scan3A_45, %mul3A_61 : i32
      %add3A_63 = arith.constant 16 : i32
      %add3A_64 = arith.addi %mul3A_62, %add3A_63 : i32
      %get3A_65 = arith.index_cast %add3A_64 : i32 to index
      %get3A_66 = tpu.vector_load %arg5[%get3A_65] {strides = array<i32>} : memref<17600xf32, #tpu.memory_space<vmem>>, vector<16xf32>,
      %get3A_67 = vector.shape_cast %get3A_66 : vector<16xf32> to vector<16xf32>
      %get3A_68 = arith.index_cast %add3A_64 : i32 to index
      %get3A_69 = tpu.vector_load %arg7[%get3A_68] {strides = array<i32>} : memref<17600xf32, #tpu.memory_space<vmem>>, vector<16xf32>,
      %get3A_70 = vector.shape_cast %get3A_69 : vector<16xf32> to vector<16xf32>
      %sub3A_71 = arith.subf %get3A_67, %get3A_70 : vector<16xf32>
      %mul3A_72 = arith.mulf %sub3A_71, %sub3A_71 : vector<16xf32>
      %add3A_73 = arith.addf %scan3A_47, %mul3A_72 : vector<16xf32>
      %mul3A_74 = arith.constant 80 : i32
      %mul3A_75 = arith.muli %scan3A_45, %mul3A_74 : i32
      %add3A_76 = arith.constant 32 : i32
      %add3A_77 = arith.addi %mul3A_75, %add3A_76 : i32
      %get3A_78 = arith.index_cast %add3A_77 : i32 to index
      %get3A_79 = tpu.vector_load %arg5[%get3A_78] {strides = array<i32>} : memref<17600xf32, #tpu.memory_space<vmem>>, vector<16xf32>,
      %get3A_80 = vector.shape_cast %get3A_79 : vector<16xf32> to vector<16xf32>
      %get3A_81 = arith.index_cast %add3A_77 : i32 to index
      %get3A_82 = tpu.vector_load %arg7[%get3A_81] {strides = array<i32>} : memref<17600xf32, #tpu.memory_space<vmem>>, vector<16xf32>,
      %get3A_83 = vector.shape_cast %get3A_82 : vector<16xf32> to vector<16xf32>
      %sub3A_84 = arith.subf %get3A_80, %get3A_83 : vector<16xf32>
      %mul3A_85 = arith.mulf %sub3A_84, %sub3A_84 : vector<16xf32>
      %add3A_86 = arith.addf %scan3A_48, %mul3A_85 : vector<16xf32>
      %mul3A_87 = arith.constant 80 : i32
      %mul3A_88 = arith.muli %scan3A_45, %mul3A_87 : i32
      %add3A_89 = arith.constant 48 : i32
      %add3A_90 = arith.addi %mul3A_88, %add3A_89 : i32
      %get3A_91 = arith.index_cast %add3A_90 : i32 to index
      %get3A_92 = tpu.vector_load %arg5[%get3A_91] {strides = array<i32>} : memref<17600xf32, #tpu.memory_space<vmem>>, vector<16xf32>,
      %get3A_93 = vector.shape_cast %get3A_92 : vector<16xf32> to vector<16xf32>
      %get3A_94 = arith.index_cast %add3A_90 : i32 to index
      %get3A_95 = tpu.vector_load %arg7[%get3A_94] {strides = array<i32>} : memref<17600xf32, #tpu.memory_space<vmem>>, vector<16xf32>,
      %get3A_96 = vector.shape_cast %get3A_95 : vector<16xf32> to vector<16xf32>
      %sub3A_97 = arith.subf %get3A_93, %get3A_96 : vector<16xf32>
      %mul3A_98 = arith.mulf %sub3A_97, %sub3A_97 : vector<16xf32>
      %add3A_99 = arith.addf %scan3A_49, %mul3A_98 : vector<16xf32>
      %mul3A_100 = arith.constant 80 : i32
      %mul3A_101 = arith.muli %scan3A_45, %mul3A_100 : i32
      %add3A_102 = arith.constant 64 : i32
      %add3A_103 = arith.addi %mul3A_101, %add3A_102 : i32
      %get3A_104 = arith.index_cast %add3A_103 : i32 to index
      %get3A_105 = tpu.vector_load %arg5[%get3A_104] {strides = array<i32>} : memref<17600xf32, #tpu.memory_space<vmem>>, vector<16xf32>,
      %get3A_106 = vector.shape_cast %get3A_105 : vector<16xf32> to vector<16xf32>
      %get3A_107 = arith.index_cast %add3A_103 : i32 to index
      %get3A_108 = tpu.vector_load %arg7[%get3A_107] {strides = array<i32>} : memref<17600xf32, #tpu.memory_space<vmem>>, vector<16xf32>,
      %get3A_109 = vector.shape_cast %get3A_108 : vector<16xf32> to vector<16xf32>
      %sub3A_110 = arith.subf %get3A_106, %get3A_109 : vector<16xf32>
      %mul3A_111 = arith.mulf %sub3A_110, %sub3A_110 : vector<16xf32>
      %add3A_112 = arith.addf %add3A_60, %mul3A_111 : vector<16xf32>
      scf.yield %add3A_112, %add3A_73, %add3A_86, %add3A_99 : vector<16xf32>, vector<16xf32>, vector<16xf32>, vector<16xf32>
    }
    %scan3A_38 = arith.constant 220 : i32
    %add3A_39 = arith.addf %scan3A_37#0, %scan3A_37#1 : vector<16xf32>
    %add3A_40 = arith.addf %scan3A_37#2, %scan3A_37#3 : vector<16xf32>
    %add3A_41 = arith.addf %add3A_39, %add3A_40 : vector<16xf32>
    %swap3A = arith.constant 0 : index
    %swap3A_42 = tpu.vector_load %arg9[%swap3A] {strides = array<i32>} : memref<16xf32, #tpu.memory_space<vmem>>, vector<16xf32>,
    %swap3A_43 = vector.shape_cast %swap3A_42 : vector<16xf32> to vector<16xf32>
    %swap3A_44 = vector.shape_cast %add3A_41 : vector<16xf32> to vector<16xf32>
    tpu.vector_store %arg9[%swap3A], %swap3A_44 {strides = array<i32>} : memref<16xf32, #tpu.memory_space<vmem>>, vector<16xf32>,
    "tpu.region"() ({
      %run_scoped3A = tpu.sem_alloc : memref<!tpu.dma_semaphore, #tpu.memory_space<semaphore_mem>>
      %dma_start3A_45 = arith.constant 0 : i32
      %dma_start3A_46 = tpu.memref_slice %arg4[%add3A, %dma_start3A_45] : memref<32x16xf32, #tpu.memory_space<hbm>> -> memref<1x16xf32, #tpu.memory_space<hbm>>
      %dma_start3A_47 = tpu.memref_squeeze %dma_start3A_46 : memref<1x16xf32, #tpu.memory_space<hbm>> -> memref<16xf32, #tpu.memory_space<hbm>>
      %dma_start3A_48 = arith.constant 0 : i32
      %dma_start3A_49 = tpu.memref_slice %arg4[%add3A, %dma_start3A_48] : memref<32x16xf32, #tpu.memory_space<hbm>> -> memref<1x16xf32, #tpu.memory_space<hbm>>
      %dma_start3A_50 = tpu.memref_squeeze %dma_start3A_49 : memref<1x16xf32, #tpu.memory_space<hbm>> -> memref<16xf32, #tpu.memory_space<hbm>>
      tpu.enqueue_dma source(%arg9 : memref<16xf32, #tpu.memory_space<vmem>>) target(%dma_start3A_50 : memref<16xf32, #tpu.memory_space<hbm>>) target_semaphore(%run_scoped3A : memref<!tpu.dma_semaphore, #tpu.memory_space<semaphore_mem>>)
      %dma_wait3A_51 = arith.constant 0 : i32
      %dma_wait3A_52 = tpu.memref_slice %arg4[%add3A, %dma_wait3A_51] : memref<32x16xf32, #tpu.memory_space<hbm>> -> memref<1x16xf32, #tpu.memory_space<hbm>>
      %dma_wait3A_53 = tpu.memref_squeeze %dma_wait3A_52 : memref<1x16xf32, #tpu.memory_space<hbm>> -> memref<16xf32, #tpu.memory_space<hbm>>
      %dma_wait3A_54 = arith.constant 0 : i32
      %dma_wait3A_55 = tpu.memref_slice %arg4[%add3A, %dma_wait3A_54] : memref<32x16xf32, #tpu.memory_space<hbm>> -> memref<1x16xf32, #tpu.memory_space<hbm>>
      %dma_wait3A_56 = tpu.memref_squeeze %dma_wait3A_55 : memref<1x16xf32, #tpu.memory_space<hbm>> -> memref<16xf32, #tpu.memory_space<hbm>>
      tpu.wait_dma2 semaphore(%run_scoped3A : memref<!tpu.dma_semaphore, #tpu.memory_space<semaphore_mem>>) src(%arg9 : memref<16xf32, #tpu.memory_space<vmem>>) dst(%dma_wait3A_56 : memref<16xf32, #tpu.memory_space<hbm>>)
      tpu.yield
    }) : () -> ()
    return
  }
}

module attributes {stable_mosaic.version = 14 : i64} {
  func.func @body(%arg0: i32, %arg1: memref<2000x128xf32, #tpu.memory_space<vmem>>, %arg2: memref<2000x128xf32, #tpu.memory_space<vmem>>, %arg3: memref<1x1xf32, #tpu.memory_space<smem>>) attributes {dimension_semantics = [#tpu.dimension_semantics<arbitrary>], iteration_bounds = array<i64: 14>, scalar_prefetch = 0 : i64, scratch_operands = 0 : i64, tpu.core_type = #tpu.core_type<tc>, window_params = [{transform_indices = @transform_0, window_bounds = array<i64: 2000, 128>}, {transform_indices = @transform_1, window_bounds = array<i64: 2000, 128>}, {transform_indices = @transform_2, window_bounds = array<i64: 1, 1>}]} {
    %eq3A = arith.constant 0 : i32
    %eq3A_0 = arith.cmpi eq, %arg0, %eq3A : i32
    %convert_element_type3A = arith.extui %eq3A_0 : i1 to i32
    %cond3A = arith.constant 0 : i32
    %cond3A_1 = arith.cmpi ne, %convert_element_type3A, %cond3A : i32
    scf.if %cond3A_1 {
      %swap3A_16 = arith.constant 0.000000e+00 : f32
      %swap3A_17 = arith.constant 0 : index
      %swap3A_18 = arith.constant 0 : index
      %swap3A_19 = memref.load %arg3[%swap3A_17, %swap3A_18] : memref<1x1xf32, #tpu.memory_space<smem>>
      memref.store %swap3A_16, %arg3[%swap3A_17, %swap3A_18] : memref<1x1xf32, #tpu.memory_space<smem>>
    } else {
    }
    %get3A = arith.constant 0 : index
    %get3A_2 = arith.constant 0 : index
    %get3A_3 = vector.load %arg1[%get3A, %get3A_2] : memref<2000x128xf32, #tpu.memory_space<vmem>>, vector<2000x128xf32>
    %get3A_4 = arith.constant 0 : index
    %get3A_5 = arith.constant 0 : index
    %get3A_6 = vector.load %arg2[%get3A_4, %get3A_5] : memref<2000x128xf32, #tpu.memory_space<vmem>>, vector<2000x128xf32>
    %sub3A = arith.subf %get3A_3, %get3A_6 : vector<2000x128xf32>
    %get3A_7 = arith.constant 0 : index
    %get3A_8 = arith.constant 0 : index
    %get3A_9 = memref.load %arg3[%get3A_7, %get3A_8] : memref<1x1xf32, #tpu.memory_space<smem>>
    %mul3A = arith.mulf %sub3A, %sub3A : vector<2000x128xf32>
    %reduce_sum3A = vector.shape_cast %mul3A : vector<2000x128xf32> to vector<1x2000x128xf32>
    %reduce_sum3A_10 = arith.constant dense<0.000000e+00> : vector<1xf32>
    %reduce_sum3A_11 = vector.multi_reduction <add>, %reduce_sum3A, %reduce_sum3A_10 [1, 2] : vector<1x2000x128xf32> to vector<1xf32>
    %reduce_sum3A_12 = vector.shape_cast %reduce_sum3A_11 : vector<1xf32> to vector<1x1x1xf32>
    %reduce_sum3A_13 = vector.extract %reduce_sum3A_12[0, 0, 0] : f32 from vector<1x1x1xf32>
    %add3A = arith.addf %get3A_9, %reduce_sum3A_13 : f32
    %swap3A = arith.constant 0 : index
    %swap3A_14 = arith.constant 0 : index
    %swap3A_15 = memref.load %arg3[%swap3A, %swap3A_14] : memref<1x1xf32, #tpu.memory_space<smem>>
    memref.store %add3A, %arg3[%swap3A, %swap3A_14] : memref<1x1xf32, #tpu.memory_space<smem>>
    return
  }
  func.func @transform_0(%arg0: i32) -> (i32, i32) {
    %c0_i32 = arith.constant 0 : i32
    %c0_i32_0 = arith.constant 0 : i32
    return %arg0, %c0_i32 : i32, i32
  }
  func.func @transform_1(%arg0: i32) -> (i32, i32) {
    %c0_i32 = arith.constant 0 : i32
    %c0_i32_0 = arith.constant 0 : i32
    return %arg0, %c0_i32 : i32, i32
  }
  func.func @transform_2(%arg0: i32) -> (i32, i32) {
    %c0_i32 = arith.constant 0 : i32
    %c0_i32_0 = arith.constant 0 : i32
    %c0_i32_1 = arith.constant 0 : i32
    return %c0_i32, %c0_i32_0 : i32, i32
  }
}

module attributes {stable_mosaic.version = 14 : i64} {
  func.func @body(%arg0: memref<32x16xf32, #tpu.memory_space<vmem>>, %arg1: memref<1x1xf32, #tpu.memory_space<smem>>, %arg2: memref<1x1xf32, #tpu.memory_space<smem>>) attributes {dimension_semantics = [], scalar_prefetch = 0 : i64, scratch_operands = 0 : i64, tpu.core_type = #tpu.core_type<tc>} {
    %get3A = arith.constant 0 : index
    %get3A_0 = arith.constant 0 : index
    %get3A_1 = vector.load %arg0[%get3A, %get3A_0] : memref<32x16xf32, #tpu.memory_space<vmem>>, vector<32x16xf32>
    %reduce_sum3A = vector.shape_cast %get3A_1 : vector<32x16xf32> to vector<1x32x16xf32>
    %reduce_sum3A_2 = arith.constant dense<0.000000e+00> : vector<1xf32>
    %reduce_sum3A_3 = vector.multi_reduction <add>, %reduce_sum3A, %reduce_sum3A_2 [1, 2] : vector<1x32x16xf32> to vector<1xf32>
    %reduce_sum3A_4 = vector.shape_cast %reduce_sum3A_3 : vector<1xf32> to vector<1x1x1xf32>
    %reduce_sum3A_5 = vector.extract %reduce_sum3A_4[0, 0, 0] : f32 from vector<1x1x1xf32>
    %get3A_6 = arith.constant 0 : index
    %get3A_7 = arith.constant 0 : index
    %get3A_8 = memref.load %arg1[%get3A_6, %get3A_7] : memref<1x1xf32, #tpu.memory_space<smem>>
    %add3A = arith.addf %reduce_sum3A_5, %get3A_8 : f32
    %mul3A = arith.constant 9.99999974E-6 : f32
    %mul3A_9 = arith.mulf %add3A, %mul3A : f32
    %swap3A = arith.constant 0 : index
    %swap3A_10 = arith.constant 0 : index
    %swap3A_11 = memref.load %arg2[%swap3A, %swap3A_10] : memref<1x1xf32, #tpu.memory_space<smem>>
    memref.store %mul3A_9, %arg2[%swap3A, %swap3A_10] : memref<1x1xf32, #tpu.memory_space<smem>>
    return
  }
}

</mosaic_0001>

<sc_bundles>
// kernel: kernel.5.cloned.1.call-start
scs
__scs_entry_jumppad:
0x0: {  	(pc) =	sbr.rel $0x88, $3  }
0x1: {  	(tag) =	ssettag $0x0;
	lr =	simm.s32 $0x1  }
0x2: {  	[smem:$0x3F9F] =	sst lr;
	_ =	strace $0xD0000000  }
0x3: {  	_ = 	snop  }
0x4: {  	_ = 	snop  }
0x5: {  	_ = 	snop  }
0x6: {  	_ = 	snop  }
0x7: {  	_ = 	snop  }
__scs_overlays_trampoline_lowered:
0x8: {  	[smem:$0x3FAE] =	sst s0  }
0x9: {  	[smem:$0x3FAF] =	sst s1  }
0xa: {  	[smem:$0x3FB0] =	sst s2  }
0xb: {  	[smem:$0x3FB1] =	sst s3  }
0xc: {  	[smem:$0x3FB2] =	sst s4  }
0xd: {  	[smem:$0x3FB3] =	sst s5  }
0xe: {  	[smem:$0x3FB4] =	sst s6  }
0xf: {  	[smem:$0x3FB5] =	sst s7  }
0x10: {  	[smem:$0x3FB6] =	sst s8  }
0x11: {  	[smem:$0x3FB7] =	sst s9;
	s0 =	simm.s32 @!p0 $0x0  }
0x12: {  	s1 =	sld [smem:$0x3F9D];
	s0 =	simm.s32 @p0 $0x1  }
0x13: {  	[smem:$0x3FB8] =	sst s0;
	s0 =	simm.s32 @!p1 $0x0  }
0x14: {  	s2 =	sld [smem:$0x3F9C];
	s0 =	simm.s32 @p1 $0x1  }
0x15: {  	[smem:$0x3FB9] =	sst s0;
	s0 =	simm.s32 @!p2 $0x0  }
0x16: {  	s3 =	sld [smem:$0x3FDB];
	s0 =	simm.s32 @p2 $0x1  }
0x17: {  	s4 =	simm.s32 $0x1BF5;
	[smem:$0x3FBB] =	sst s0  }
0x18: {  	s0 =	sld [smem:$0x3F9E];
	_ =	swait.ge [sflag:s4], $0x0  }
0x19: {  	s7 =	sld [smem:$0x3F9F]  }
0x1a: {  	s8 =	sadd.s32 $0xFFFFE003, lr  }
0x1b: {  	s9 =	sadd.s32 $0xFFFFFEF7, lr;
	s5 =	simm.s32 $0xFFFFFFFF;
	p2 =	slt.u32 s8, $0xFFFFF086  }
0x1c: {  	p1 =	slt.u32 s9, $0xF7A;
	s5 =	simm.s32 @!p2 $0x0  }
0x1d: {  	s5 =	simm.s32 @p1 $0x1;
	p0 =	seq.s32 s7, s2  }
0x1e: {  	s7 =	smul.u32 @!p0 $0xF7A, s2;
	p2 =	seq.s32 @!p0 s5, $0x0  }
0x1f: {  	s9 =	smul.u32 $0xF7A, s1;
	s8 =	simm.s32 @!p0 $0x1BF5;
	p2 =	por !p2, p0  }
0x20: {  	[sflag:s8] =	ssyncset.s32 @!p0 $0xFFFFF086;
	s6 =	sadd.s32 @!p0 s3, s7;
	s7 =	simm.s32 @!p0 $0x108  }
0x21: {  	s3 =	sadd.s32 s3, s9;
	s6 =	sadd.s32 @!p0 $0x88, s6;
	s7 =	simm.s32 @p2 $0x1082  }
0x22: {  	[simem:s7], [sflag:s8] =	dma.local @!p0 [hbm:s6], $0xF7A  }
0x23: {  	s9 =	sor.u32 $0xD0000000, s2;
	s6 =	simm.s32 $0x108;
	_ =	swait.ge @!p0 [sflag:s8], $0x0  }
0x24: {  	s3 =	sadd.s32 $0x88, s3;
	s6 =	simm.s32 @!p1 $0x1082;
	[sflag:s4] =	ssyncset.s32 $0xFFFFF086  }
0x25: {  	[simem:s6], [sflag:s4] =	dma.local [hbm:s3], $0xF7A  }
0x26: {  	[smem:$0x3F9F] =	sst s1;
	(tag) =	ssettag s2;
	_ =	strace s9  }
0x27: {  	s1 =	sld [smem:$0x3FAF]  }
0x28: {  	s2 =	sld [smem:$0x3FB0]  }
0x29: {  	s4 =	sld [smem:$0x3FB2]  }
0x2a: {  	p0 =	seq.s32 s5, $0x0;
	s5 =	sld [smem:$0x3FB3]  }
0x2b: {  	s6 =	sld [smem:$0x3FB4]  }
0x2c: {  	s7 =	sld [smem:$0x3FB5]  }
0x2d: {  	s3 =	simm.s32 $0x108;
	s8 =	sld [smem:$0x3FB6]  }
0x2e: {  	s3 =	simm.s32 @!p0 $0x1082;
	s9 =	sld [smem:$0x3FB7]  }
0x2f: {  	lr =	sadd.s32 s0, s3;
	s0 =	sld [smem:$0x3FAE]  }
0x30: {  	s3 =	sld [smem:$0x3FB1]  }
0x31: {  	[smem:$0x3FBA] =	sst s10  }
0x32: {  	s10 =	sld [smem:$0x3FB8];
	_ =	sdelay $0x3  }
0x33: {  	p0 =	seq.s32 s10, $0x1;
	s10 =	sld [smem:$0x3FBA];
	_ =	sdelay $0x3  }
0x34: {  	[smem:$0x3FBA] =	sst s10  }
0x35: {  	s10 =	sld [smem:$0x3FB9];
	_ =	sdelay $0x3  }
0x36: {  	p1 =	seq.s32 s10, $0x1;
	s10 =	sld [smem:$0x3FBA];
	_ =	sdelay $0x3  }
0x37: {  	[smem:$0x3FBA] =	sst s10  }
0x38: {  	s10 =	sld [smem:$0x3FBB]  }
0x39: {  	_ = 	snop;
	(pc) =	sbr.ind lr, $3  }
0x3a: {  	_ = 	snop  }
0x3b: {  	_ = 	snop  }
0x3c: {  	p2 =	seq.s32 s10, $0x1;
	s10 =	sld [smem:$0x3FBA]  }
0x3d: {  	_ =	shalt  }
0x3e: {  	_ =	shalt  }
0x3f: {  	_ =	shalt  }
0x40: {  	_ =	shalt  }
0x41: {  	_ =	shalt  }
0x42: {  	_ =	shalt  }
0x43: {  	_ =	shalt  }
0x44: {  	_ =	shalt  }
0x45: {  	_ =	shalt  }
0x46: {  	_ =	shalt  }
0x47: {  	_ =	shalt  }
0x48: {  	_ =	shalt  }
0x49: {  	_ =	shalt  }
0x4a: {  	_ =	shalt  }
0x4b: {  	_ =	shalt  }
0x4c: {  	_ =	shalt  }
0x4d: {  	_ =	shalt  }
0x4e: {  	_ =	shalt  }
0x4f: {  	_ =	shalt  }
0x50: {  	_ =	shalt  }
0x51: {  	_ =	shalt  }
0x52: {  	_ =	shalt  }
0x53: {  	_ =	shalt  }
0x54: {  	_ =	shalt  }
0x55: {  	_ =	shalt  }
0x56: {  	_ =	shalt  }
0x57: {  	_ =	shalt  }
0x58: {  	_ =	shalt  }
0x59: {  	_ =	shalt  }
0x5a: {  	_ =	shalt  }
0x5b: {  	_ =	shalt  }
0x5c: {  	_ =	shalt  }
0x5d: {  	_ =	shalt  }
0x5e: {  	_ =	shalt  }
0x5f: {  	_ =	shalt  }
0x60: {  	_ =	shalt  }
0x61: {  	_ =	shalt  }
0x62: {  	_ =	shalt  }
0x63: {  	_ =	shalt  }
0x64: {  	_ =	shalt  }
0x65: {  	_ =	shalt  }
0x66: {  	_ =	shalt  }
0x67: {  	_ =	shalt  }
0x68: {  	_ =	shalt  }
0x69: {  	_ =	shalt  }
0x6a: {  	_ =	shalt  }
0x6b: {  	_ =	shalt  }
0x6c: {  	_ =	shalt  }
0x6d: {  	_ =	shalt  }
0x6e: {  	_ =	shalt  }
0x6f: {  	_ =	shalt  }
0x70: {  	_ =	shalt  }
0x71: {  	_ =	shalt  }
0x72: {  	_ =	shalt  }
0x73: {  	_ =	shalt  }
0x74: {  	_ =	shalt  }
0x75: {  	_ =	shalt  }
0x76: {  	_ =	shalt  }
0x77: {  	_ =	shalt  }
0x78: {  	_ =	shalt  }
0x79: {  	_ =	shalt  }
0x7a: {  	_ =	shalt  }
0x7b: {  	_ =	shalt  }
0x7c: {  	_ =	shalt  }
0x7d: {  	_ =	shalt  }
0x7e: {  	_ =	shalt  }
0x7f: {  	_ =	shalt  }
0x80: {  	_ =	shalt  }
0x81: {  	_ =	shalt  }
0x82: {  	_ =	shalt  }
0x83: {  	_ =	shalt  }
0x84: {  	_ =	shalt  }
0x85: {  	_ =	shalt  }
0x86: {  	_ =	shalt  }
0x87: {  	_ =	shalt  }
.Lfunc_end0:
.L_simem_size_0:
called_computation_lowered:
.L_overlay_start_0:
0x88: {  	s2 =	sld [smem:$0x3FD9]  }
0x89: {  	s3 =	sld [smem:$0x3FFE];
	_ =	sdelay $0x1  }
0x8a: {  	s1 =	srdreg.scid  }
0x8b: {  	s0 =	sand.u32 $0x1, s1  }
0x8c: {  	s17 =	sshll.u32 s0, $0xA;
	s2 =	sadd.s32 s3, s2  }
0x8d: {  	s2 =	sadd.s32 s2, s17  }
0x8e: {  	[smem:$0x3FC6] =	sst s2  }
0x8f: {  	_ = 	snop  }
0x90: {  	s2 =	sld [smem:$0x3FC9]  }
0x91: {  	s18 =	sld [smem:$0x3FC8];
	(tm) =	ssettm $0x1  }
0x92: {  	s4 =	sld [smem:$0x3FFB];
	_ =	sdelay $0x3  }
0x93: {  	_ =	strace s4  }
0x94: {  	s4 =	sld [smem:$0x3FFC];
	_ =	sdelay $0x3  }
0x95: {  	_ =	strace s4  }
0x96: {  	s4 =	sld [smem:$0x3FFD];
	_ =	sdelay $0x3  }
0x97: {  	_ =	strace s4  }
0x98: {  	_ =	strace $0x8FFFFFFF  }
0x99: {  	s19 =	sld [smem:$0x3FDB];
	_ =	sdelay $0x1  }
0x9a: {  	s5 =	simm.s32 $_scs_section_size  }
0x9b: {  	s6 =	simm.s32 $_size__tile_overlayer_lowered;
	s7 =	simm.s32 $_tile_overlayer_lowered  }
0x9c: {  	s22 =	simm.s32 $0x1BFF;
	s21 =	sshll.u32 s7, $0x1;
	s4 =	sadd.s32 s5, s19  }
0x9d: {  	s8 =	simm.s32 $0x0;
	s20 =	sshll.u32 s6, $0x1;
	s6 =	sadd.s32 s21, s4  }
0x9e: {  	[timem:s8], [sflag:s22] =	dma.local [hbm:s6], s20  }
0x9f: {  	_ =	swait.ge [sflag:s22], s20  }
0xa0: {  	s5 =	ssub.s32 $0x0, s20;
	[sflag:s22] =	ssyncset.done $0x0  }
0xa1: {  	[sflag:s22] =	ssyncadd.s32 s5;
	_ =	sdelay $0x1  }
0xa2: {  	s23 =	simm.s32 $0x1B8B  }
0xa3: {  	_ =	swait.ge [sflag:s23], $0x1  }
0xa4: {  	[sflag:s23] =	ssyncset.done $0x0  }
0xa5: {  	s25 =	simm.s32 $0x1B8E;
	s24 =	sld [smem:$0x3FFE];
	[sflag:s23] =	ssyncadd.s32 $0xFFFFFFFF  }
0xa6: {  	s26 =	simm.s32 $execute0_lowered;
	[smem:$0x3FD2] =	sst s25  }
0xa7: {  	s6 =	sshll.u32 s26, $0x1;
	_ =	strace $0x80000046;
	[dreg:$0x1] =	wrdreg $0xFFFFFFFF  }
0xa8: {  	s28 =	simm.s32 $_size_execute0_lowered;
	s4 =	sadd.s32 s4, s6;
	[dreg:$0x0] =	wrdreg $0x0  }
0xa9: {  	s6 =	sshll.u32 s28, $0x1;
	[dreg:$0x2] =	wrdreg s4  }
0xaa: {  	[dreg:$0x3] =	wrdreg s6  }
0xab: {  	[dreg:$0x4] =	wrdreg $0xC0  }
0xac: {  	_ =	task [dreg:s8], $0x5FFFF  }
0xad: {  	[dreg:$0x1] =	wrdreg $0xFFFFFFFF  }
0xae: {  	[dreg:$0x0] =	wrdreg $0x60  }
0xaf: {  	[dreg:$0x2] =	wrdreg s2  }
0xb0: {  	[dreg:$0x3] =	wrdreg s18  }
0xb1: {  	[dreg:$0x4] =	wrdreg s24  }
0xb2: {  	[dreg:$0x5] =	wrdreg $0x9  }
0xb3: {  	_ =	task.clear_ibuf [dreg:s8], $0x6FFFF;
	_ =	strace $0x90000046  }
0xb4: {  	s29 =	simm.s32 $0x9;
	_ =	strace $0x80000048  }
0xb5: {  	_ =	swait.ge [sflag:s29], $0x1  }
0xb6: {  	[sflag:s29] =	ssyncadd.s32 $0xFFFFFFFF  }
0xb7: {  	_ =	strace $0x90000048  }
0xb8: {  	_ =	sfence  }
0xb9: {  	s30 =	sld [smem:$0x0];
	_ =	sdelay $0x2  }
0xba: {  	s31 =	sshll.u32 s1, $0xD;
	s1 =	sshrl.u32 s1, $0x2  }
0xbb: {  	s3 =	sand.u32 $0x4000, s31;
	s1 =	sadd.s32 s1, s30  }
0xbc: {  	s0 =	sor.u32 s3, s0;
	s1 =	sshll.u32 s1, $0x11  }
0xbd: {  	s0 =	sor.u32 s1, s0  }
0xbe: {  	s0 =	sadd.s32 $0x8F2B, s0  }
0xbf: {  	[sflag:s0] =	ssyncadd.remote.s32 $0x1  }
0xc0: {  	_ =	sfence.sel $0xFFFF  }
0xc1: {  	[dreg:$0x0] =	wrdreg $0xFFFFFFFF;
	(pc) =	sbr.abs _section_cstart, $3  }
0xc2: {  	[dreg:$0x1] =	wrdreg $0xFFFFFFFF  }
0xc3: {  	_ =	task.clear_ibuf [dreg:s8], $0x2FFFF;
	_ =	strace $0x9FFFFFFF  }
0xc4: {  	(tm) =	ssettm $0x7FFFFFFF  }
0xc5: {  	_ =	shalt  }
tec
execute0_lowered:
.L_overlay_start_1:
0x0: {  	(tag) =	ssettag $0x1  }
0x1: {  	s1 =	rddreg [dreg:$0x0]  }
0x2: {  	s3 =	rddreg [dreg:$0x1];
	s2 =	srdreg.scid  }
0x3: {  	s0 =	stileid.u32;
	s5 =	rddreg [dreg:$0x2];
	s4 =	simm.s32 $0x0  }
0x4: {  	s14 =	simm.s32 $0x8A00;
	s15 =	simm.s32 $0x4500;
	s16 =	simm.s32 $0xCF00  }
0x5: {  	s17 =	simm.s32 $0x1;
	s18 =	simm.s32 $0x3;
	s19 =	simm.s32 $0x2  }
0x6: {  	s20 =	simm.s32 $0x4;
	s21 =	simm.s32 $0x11400;
	s22 =	simm.s32 $0x5  }
0x7: {  	s23 =	simm.s32 $0x0;
	s6 =	sand.u32 $0x1, s2;
	s7 =	sshll.u32 s0, $0x1  }
0x8: {  	s26 =	simm.s32 $0x0;
	s2 =	rddreg [dreg:$0x3];
	s7 =	sor.u32 s6, s7  }
0x9: {  	[smem:$0x7FF] =	sst s4;
	s6 =	ssub.s32 $0x2, s6;
	s9 =	smul.u32 $0x157C0, s7  }
0xa: {  	_ =	strace $0x80000047;
	s7 =	sshll.u32 s7, $0x4;
	s8 =	sshrl.u32 s6, $0x1  }
0xb: {  	s12 =	sadd.s32 s7, s5;
	s13 =	ssub.s32 s6, s8;
	s10 =	sshrl.u32 s9, $0x3  }
0xc: {  	s9 =	sadd.s32 $0x373980, s9;
	s12 =	sadd.s32 $0x600, s12;
	s13 =	smax.u32 s13, $0x1  }
0xd: {  	s30 =	sadd.s32 $0x6D600, s10;
	s31 =	sadd.s32 $0x6DE98, s10;
	s11 =	sadd.s32 $0x6EFC8, s10  }
0xe: {  	s5 =	sadd.s32 s1, s30;
	s6 =	sadd.s32 s3, s30;
	s7 =	sadd.s32 s1, s31  }
0xf: {  	s8 =	sadd.s32 s3, s31;
	s10 =	sadd.s32 s1, s11;
	s11 =	sadd.s32 s3, s11  }
.LBB2_1:
0x10: {  	[tilespmem:s4], [sflag:$0x1] =	stream.linear.gather [hbm4b:s5+s4], $0x44C0, $0x38;
	[tilespmem:$0x11480] =	vst v63  }
0x11: {  	_ = 	snop  }
0x12: {  	[tilespmem:s14], [sflag:$0x3] =	stream.linear.gather [hbm4b:s6+s4], $0x44C0, $0x38;
	[tilespmem:$0x11480] =	vst v63  }
0x13: {  	_ = 	snop  }
0x14: {  	[tilespmem:s15], [sflag:$0x2] =	stream.linear.gather [hbm4b:s7+s4], $0x44C0, $0x38;
	[tilespmem:$0x11480] =	vst v63  }
0x15: {  	v0 =	vimm.f32 $0.0e+00;
	p1 =	por $0x1, $0x1;
	s24 =	simm.s32 $0x0  }
0x16: {  	v1 =	vimm.f32 $0.0e+00;
	v2 =	vimm.f32 $0.0e+00;
	v4 =	vimm.f32 $0.0e+00;
	[tilespmem:s16], [sflag:$0x4] =	stream.linear.gather [hbm4b:s8+s4], $0x44C0, $0x38;
	[tilespmem:$0x11480] =	vst v63  }
.LBB2_2:
0x17: {  	_ =	swait.ge [sflag:s17], $0x44C0  }
0x18: {  	[sflag:s17] =	ssyncset.done $0x0  }
0x19: {  	[sflag:s17] =	ssyncadd.s32 $0xFFFFBB40  }
0x1a: {  	s24 =	sadd.s32 s24, s9;
	_ =	swait.ge [sflag:s18], $0x44C0  }
0x1b: {  	s24 =	sshrl.u32 s24, $0x3;
	[sflag:s18] =	ssyncset.done $0x0  }
0x1c: {  	s25 =	sadd.s32 s1, s24;
	[sflag:s18] =	ssyncadd.s32 $0xFFFFBB40  }
0x1d: {  	[tilespmem:s26], [sflag:$0x1] =	stream.linear.gather [hbm4b:s25+s26], $0x44C0, $0x38;
	[tilespmem:$0x11480] =	vst v63  }
0x1e: {  	s31 =	simm.s32 $0x0;
	s24 =	sadd.s32 s3, s24  }
0x1f: {  	[tilespmem:s14], [sflag:$0x3] =	stream.linear.gather [hbm4b:s24+s26], $0x44C0, $0x38;
	[tilespmem:$0x11480] =	vst v63  }
0x20: {  	v3 =	vld [tilespmem:s31+$0x0]  }
0x21: {  	v5 =	vld [tilespmem:s31+$0x8A00]  }
0x22: {  	v6 =	vld [tilespmem:s31+$0x40]  }
0x23: {  	v8 =	vld [tilespmem:s31+$0x8A40]  }
0x24: {  	v9 =	vld [tilespmem:s31+$0x10]  }
0x25: {  	v10 =	vld [tilespmem:s31+$0x8A10]  }
0x26: {  	v7 =	vld [tilespmem:s31+$0x8A20];
	v3 =	vsub.f32 v3, v5  }
0x27: {  	v5 =	vld [tilespmem:s31+$0x20]  }
0x28: {  	v12 =	vsub.f32 v6, v8;
	v6 =	vld [tilespmem:s31+$0x8A30];
	v11 =	vmul.f32 v3, v3  }
0x29: {  	s24 =	simm.s32 $0x50;
	v3 =	vld [tilespmem:s31+$0x30]  }
0x2a: {  	p0 =	por p1, p1;
	s25 =	simm.s32 $0x280;
	v8 =	vld [tilespmem:s24+$0x0];
	v10 =	vsub.f32 v9, v10;
	v9 =	vmul.f32 v12, v12;
	v4 =	vadd.f32 v11, v4  }
.LBB2_3:
0x2b: {  	p1 =	sne.s32 s25, $0x111C0;
	v11 =	vld [tilespmem:s24+$0x8A00]  }
0x2c: {  	v12 =	vld [tilespmem:s24+$0x40];
	v10 =	vmul.f32 v10, v10;
	v5 =	vsub.f32 v5, v7;
	v4 =	vadd.f32 v9, v4  }
0x2d: {  	v9 =	vld [tilespmem:s24+$0x8A40]  }
0x2e: {  	v13 =	vld [tilespmem:s24+$0x10];
	v2 =	vadd.f32 v10, v2;
	v7 =	vmul.f32 v5, v5;
	v3 =	vsub.f32 v3, v6  }
0x2f: {  	v10 =	vld [tilespmem:s24+$0x8A10]  }
.Ltmp0:
0x30: {  	v6 =	vsub.f32 v8, v11;
	v5 =	vld [tilespmem:s24+$0x20];
	v1 =	vadd.f32 v7, v1;
	v8 =	vmul.f32 v3, v3;
	(pc) =	sbr.rel @p1 .LBB2_3-.Ltmp0, $4  }
0x31: {  	v7 =	vld [tilespmem:s24+$0x8A20]  }
0x32: {  	v11 =	vmul.f32 v6, v6;
	v3 =	vld [tilespmem:s24+$0x30];
	v9 =	vsub.f32 v12, v9;
	v0 =	vadd.f32 v8, v0  }
0x33: {  	v6 =	vld [tilespmem:s24+$0x8A30];
	s24 =	sshra.s32 s25, $0x2  }
0x34: {  	s25 =	sadd.s32 $0x140, s25;
	v8 =	vld [tilespmem:s24+$0x0];
	v4 =	vadd.f32 v11, v4;
	v10 =	vsub.f32 v13, v10;
	v9 =	vmul.f32 v9, v9  }
0x35: {  	v11 =	vld [tilespmem:s24+$0x8A00]  }
0x36: {  	v12 =	vld [tilespmem:s24+$0x40]  }
0x37: {  	v13 =	vld [tilespmem:s24+$0x8A40]  }
0x38: {  	v14 =	vld [tilespmem:s24+$0x10]  }
0x39: {  	v15 =	vld [tilespmem:s24+$0x8A10]  }
0x3a: {  	v16 =	vld [tilespmem:s24+$0x20]  }
0x3b: {  	v17 =	vld [tilespmem:s24+$0x8A20]  }
0x3c: {  	v18 =	vld [tilespmem:s24+$0x30]  }
0x3d: {  	v19 =	vld [tilespmem:s24+$0x8A30];
	_ =	swait.ge [sflag:s19], $0x44C0  }
0x3e: {  	[sflag:s19] =	ssyncset.done $0x0  }
0x3f: {  	[sflag:s19] =	ssyncadd.s32 $0xFFFFBB40  }
0x40: {  	_ =	swait.ge [sflag:s20], $0x44C0  }
0x41: {  	[sflag:s20] =	ssyncset.done $0x0  }
0x42: {  	s24 =	simm.s32 @p0 $0x0;
	s25 =	simm.s32 @p0 $0x4500;
	[sflag:s20] =	ssyncadd.s32 $0xFFFFBB40  }
0x43: {  	[tilespmem:s25], [sflag:$0x2] =	stream.linear.gather @p0 [hbm4b:s10+s24], $0x44C0, $0x38;
	[tilespmem:$0x11480] =	vst v63  }
0x44: {  	s31 =	simm.s32 $0x0;
	s25 =	simm.s32 @p0 $0xCF00  }
0x45: {  	v5 =	vsub.f32 v5, v7;
	[tilespmem:s25], [sflag:$0x4] =	stream.linear.gather @p0 [hbm4b:s11+s24], $0x44C0, $0x38;
	[tilespmem:$0x11480] =	vst v63  }
0x46: {  	v7 =	vmul.f32 v10, v10;
	v8 =	vsub.f32 v8, v11;
	v10 =	vld [tilespmem:s31+$0x4500]  }
0x47: {  	v4 =	vadd.f32 v9, v4;
	v5 =	vmul.f32 v5, v5;
	v9 =	vld [tilespmem:s31+$0xCF00]  }
0x48: {  	v2 =	vadd.f32 v7, v2;
	v3 =	vsub.f32 v3, v6;
	v6 =	vmul.f32 v8, v8;
	v7 =	vld [tilespmem:s31+$0x4540]  }
0x49: {  	v5 =	vadd.f32 v5, v1;
	v1 =	vsub.f32 v12, v13;
	v8 =	vld [tilespmem:s31+$0xCF40]  }
0x4a: {  	v3 =	vmul.f32 v3, v3;
	v6 =	vadd.f32 v6, v4;
	v4 =	vsub.f32 v14, v15;
	v11 =	vld [tilespmem:s31+$0x4510]  }
0x4b: {  	v60 =	vsub.f32 v16, v17;
	v61 =	vsub.f32 v18, v19;
	v1 =	vmul.f32 v1, v1;
	v62 =	vld [tilespmem:s31+$0xCF10]  }
0x4c: {  	v0 =	vadd.f32 v3, v0;
	v3 =	vmul.f32 v4, v4;
	v4 =	vld [tilespmem:s31+$0x4520];
	v9 =	vsub.f32 v10, v9  }
0x4d: {  	v12 =	vmul.f32 v60, v60;
	v13 =	vmul.f32 v61, v61;
	v10 =	vadd.f32 v1, v6;
	v6 =	vld [tilespmem:s31+$0xCF20]  }
0x4e: {  	v1 =	vadd.f32 v3, v2;
	v63 =	vsub.f32 v7, v8;
	v3 =	vld [tilespmem:s31+$0x4530];
	v9 =	vmul.f32 v9, v9  }
0x4f: {  	s24 =	simm.s32 $0x50;
	v0 =	vadd.f32 v13, v0;
	v2 =	vadd.f32 v12, v5;
	v5 =	vld [tilespmem:s31+$0xCF30]  }
0x50: {  	s25 =	simm.s32 $0x280;
	v7 =	vld [tilespmem:s24+$0x4500];
	v8 =	vadd.f32 v9, v10;
	v10 =	vsub.f32 v11, v62;
	v9 =	vmul.f32 v63, v63  }
.LBB2_5:
0x51: {  	p1 =	sne.s32 s25, $0x111C0;
	v11 =	vld [tilespmem:s24+$0xCF00]  }
0x52: {  	v12 =	vld [tilespmem:s24+$0x4540];
	v10 =	vmul.f32 v10, v10;
	v4 =	vsub.f32 v4, v6;
	v8 =	vadd.f32 v9, v8  }
0x53: {  	v9 =	vld [tilespmem:s24+$0xCF40]  }
0x54: {  	v13 =	vld [tilespmem:s24+$0x4510];
	v1 =	vadd.f32 v10, v1;
	v6 =	vmul.f32 v4, v4;
	v3 =	vsub.f32 v3, v5  }
0x55: {  	v10 =	vld [tilespmem:s24+$0xCF10]  }
.Ltmp1:
0x56: {  	v5 =	vsub.f32 v7, v11;
	v4 =	vld [tilespmem:s24+$0x4520];
	v2 =	vadd.f32 v6, v2;
	v7 =	vmul.f32 v3, v3;
	(pc) =	sbr.rel @p1 .LBB2_5-.Ltmp1, $4  }
0x57: {  	v6 =	vld [tilespmem:s24+$0xCF20]  }
0x58: {  	v11 =	vmul.f32 v5, v5;
	v3 =	vld [tilespmem:s24+$0x4530];
	v9 =	vsub.f32 v12, v9;
	v0 =	vadd.f32 v7, v0  }
0x59: {  	v5 =	vld [tilespmem:s24+$0xCF30];
	s24 =	sshra.s32 s25, $0x2  }
0x5a: {  	s25 =	sadd.s32 $0x140, s25;
	v7 =	vld [tilespmem:s24+$0x4500];
	v8 =	vadd.f32 v11, v8;
	v10 =	vsub.f32 v13, v10;
	v9 =	vmul.f32 v9, v9  }
0x5b: {  	v11 =	vld [tilespmem:s24+$0xCF00]  }
0x5c: {  	v12 =	vld [tilespmem:s24+$0x4540]  }
0x5d: {  	v13 =	vld [tilespmem:s24+$0xCF40]  }
0x5e: {  	v14 =	vld [tilespmem:s24+$0x4510]  }
0x5f: {  	v15 =	vld [tilespmem:s24+$0xCF10]  }
0x60: {  	v16 =	vld [tilespmem:s24+$0x4520]  }
0x61: {  	v18 =	vld [tilespmem:s24+$0xCF30]  }
0x62: {  	v4 =	vsub.f32 v4, v6;
	v6 =	vld [tilespmem:s24+$0x4530]  }
0x63: {  	v17 =	vld [tilespmem:s24+$0xCF20]  }
0x64: {  	v8 =	vadd.f32 v9, v8;
	v4 =	vmul.f32 v4, v4  }
0x65: {  	v3 =	vsub.f32 v3, v5;
	v7 =	vsub.f32 v7, v11  }
0x66: {  	v10 =	vmul.f32 v10, v10;
	v5 =	vadd.f32 v4, v2;
	v2 =	vsub.f32 v12, v13  }
0x67: {  	v3 =	vmul.f32 v3, v3;
	v6 =	vsub.f32 v6, v18;
	v4 =	vmul.f32 v7, v7  }
.Ltmp2:
0x68: {  	v63 =	vsub.f32 v16, v17;
	v7 =	vsub.f32 v14, v15;
	v2 =	vmul.f32 v2, v2;
	(pc) =	sbr.rel @p0 .LBB2_2-.Ltmp2, $4  }
0x69: {  	v0 =	vadd.f32 v3, v0;
	v6 =	vmul.f32 v6, v6;
	v4 =	vadd.f32 v4, v8  }
0x6a: {  	v1 =	vadd.f32 v10, v1;
	v3 =	vmul.f32 v63, v63;
	v7 =	vmul.f32 v7, v7  }
0x6b: {  	v0 =	vadd.f32 v6, v0;
	v4 =	vadd.f32 v2, v4  }
0x6c: {  	p1 =	por $0x0, $0x0;
	s24 =	simm.s32 $0x8980;
	v2 =	vadd.f32 v7, v1;
	v1 =	vadd.f32 v3, v5  }
0x6d: {  	_ =	swait.ge [sflag:s17], $0x44C0  }
0x6e: {  	[sflag:s17] =	ssyncset.done $0x0  }
0x6f: {  	[sflag:s17] =	ssyncadd.s32 $0xFFFFBB40  }
0x70: {  	_ =	swait.ge [sflag:s18], $0x44C0  }
0x71: {  	[sflag:s18] =	ssyncset.done $0x0  }
0x72: {  	s25 =	simm.s32 $0x0;
	[sflag:s18] =	ssyncadd.s32 $0xFFFFBB40  }
0x73: {  	v3 =	vld [tilespmem:s25+$0x0]  }
0x74: {  	v5 =	vld [tilespmem:s25+$0x8A00]  }
0x75: {  	v6 =	vld [tilespmem:s25+$0x40]  }
0x76: {  	v7 =	vld [tilespmem:s25+$0x8A40]  }
0x77: {  	v9 =	vld [tilespmem:s25+$0x10]  }
0x78: {  	v10 =	vld [tilespmem:s25+$0x8A10]  }
0x79: {  	v8 =	vld [tilespmem:s25+$0x8A20];
	v3 =	vsub.f32 v3, v5  }
0x7a: {  	v5 =	vld [tilespmem:s25+$0x20]  }
0x7b: {  	v12 =	vsub.f32 v6, v7;
	v6 =	vld [tilespmem:s25+$0x8A30];
	v11 =	vmul.f32 v3, v3  }
0x7c: {  	s24 =	simm.s32 $0x50;
	v3 =	vld [tilespmem:s25+$0x30]  }
0x7d: {  	v7 =	vld [tilespmem:s24+$0x0];
	v10 =	vsub.f32 v9, v10;
	s25 =	simm.s32 $0x280;
	v9 =	vmul.f32 v12, v12;
	v4 =	vadd.f32 v11, v4  }
.LBB2_8:
0x7e: {  	p0 =	sne.s32 s25, $0x111C0;
	v11 =	vld [tilespmem:s24+$0x8A00]  }
0x7f: {  	v12 =	vld [tilespmem:s24+$0x40];
	v10 =	vmul.f32 v10, v10;
	v5 =	vsub.f32 v5, v8;
	v4 =	vadd.f32 v9, v4  }
0x80: {  	v9 =	vld [tilespmem:s24+$0x8A40]  }
0x81: {  	v13 =	vld [tilespmem:s24+$0x10];
	v2 =	vadd.f32 v10, v2;
	v8 =	vmul.f32 v5, v5;
	v3 =	vsub.f32 v3, v6  }
0x82: {  	v10 =	vld [tilespmem:s24+$0x8A10]  }
.Ltmp3:
0x83: {  	v6 =	vsub.f32 v7, v11;
	v5 =	vld [tilespmem:s24+$0x20];
	v1 =	vadd.f32 v8, v1;
	v7 =	vmul.f32 v3, v3;
	(pc) =	sbr.rel @p0 .LBB2_8-.Ltmp3, $4  }
0x84: {  	v8 =	vld [tilespmem:s24+$0x8A20]  }
0x85: {  	v11 =	vmul.f32 v6, v6;
	v3 =	vld [tilespmem:s24+$0x30];
	v9 =	vsub.f32 v12, v9;
	v0 =	vadd.f32 v7, v0  }
0x86: {  	v6 =	vld [tilespmem:s24+$0x8A30];
	s24 =	sshra.s32 s25, $0x2  }
0x87: {  	s25 =	sadd.s32 $0x140, s25;
	v7 =	vld [tilespmem:s24+$0x0];
	v4 =	vadd.f32 v11, v4;
	v10 =	vsub.f32 v13, v10;
	v9 =	vmul.f32 v9, v9  }
0x88: {  	v11 =	vld [tilespmem:s24+$0x8A00]  }
0x89: {  	v12 =	vld [tilespmem:s24+$0x40]  }
0x8a: {  	v13 =	vld [tilespmem:s24+$0x8A40]  }
0x8b: {  	v14 =	vld [tilespmem:s24+$0x10]  }
0x8c: {  	v15 =	vld [tilespmem:s24+$0x8A10]  }
0x8d: {  	v16 =	vld [tilespmem:s24+$0x20]  }
0x8e: {  	v17 =	vld [tilespmem:s24+$0x8A20]  }
0x8f: {  	v56 =	vld [tilespmem:s24+$0x30];
	v5 =	vsub.f32 v5, v8  }
0x90: {  	v18 =	vld [tilespmem:s24+$0x8A30]  }
0x91: {  	v4 =	vadd.f32 v9, v4;
	v5 =	vmul.f32 v5, v5  }
0x92: {  	v3 =	vsub.f32 v3, v6;
	v7 =	vsub.f32 v7, v11  }
0x93: {  	v10 =	vmul.f32 v10, v10;
	v1 =	vadd.f32 v5, v1;
	v57 =	vsub.f32 v12, v13  }
0x94: {  	v59 =	vsub.f32 v14, v15;
	v3 =	vmul.f32 v3, v3;
	v60 =	vsub.f32 v16, v17  }
0x95: {  	v8 =	vsub.f32 v56, v18;
	v58 =	vmul.f32 v7, v7;
	v5 =	vmul.f32 v57, v57  }
0x96: {  	v2 =	vadd.f32 v10, v2;
	v61 =	vmul.f32 v59, v59;
	v62 =	vmul.f32 v60, v60  }
0x97: {  	v0 =	vadd.f32 v3, v0;
	v63 =	vmul.f32 v8, v8;
	v4 =	vadd.f32 v58, v4  }
0x98: {  	v2 =	vadd.f32 v61, v2;
	v1 =	vadd.f32 v62, v1  }
0x99: {  	v0 =	vadd.f32 v63, v0;
	v4 =	vadd.f32 v5, v4;
	_ =	sdelay $0x1  }
0x9a: {  	v0 =	vadd.f32 v0, v1;
	v2 =	vadd.f32 v2, v4;
	_ =	sdelay $0x1  }
0x9b: {  	s23 =	sadd.s32 $0x1, s23;
	v0 =	vadd.f32 v0, v2  }
0x9c: {  	p0 =	sne.s32 s23, s13  }
.Ltmp4:
0x9d: {  	[tilespmem:$0x11400] =	vst v0;
	(pc) =	sbr.rel @p0 .LBB2_1-.Ltmp4, $4  }
0x9e: {  	[hbm4b:s12+s4] =	stream.linear.scatter [tilespmem:s21], [sflag:$0x5], $0x80, $0x38;
	[tilespmem:$0x11480] =	vst v63  }
0x9f: {  	_ =	swait.ge [sflag:s22], $0x80  }
0xa0: {  	[sflag:s22] =	ssyncset.done $0x0  }
0xa1: {  	[sflag:s22] =	ssyncadd.s32 $0xFFFFFF80  }
0xa2: {  	_ =	sfence.sel $0x180000  }
0xa3: {  	[bflag:$0x0] =	sbarrier.arrive $0xFFFF  }
0xa4: {  	p0 =	sne.s32 s0, $0x0;
	_ =	strace $0x90000047  }
0xa5: {  	s0 =	sadd.s32 @!p0 $0x100000, s2;
	[bflag:$0x2] =	sbarrier.arrive $0xFFFF  }
0xa6: {  	[sflag:s0] =	ssyncadd.tile.s32 @!p0 $0x1;
	_ =	shalt  }
.Lfunc_end2:
_tile_overlayer_lowered:
.L_overlay_start_2:
0xa7: {  	(tag) =	ssettag $0x2  }
0xa8: {  	s0 =	rddreg [dreg:$0x0];
	s2 =	stileid.u32  }
0xa9: {  	s1 =	rddreg [dreg:$0x1];
	p0 =	sne.s32 s2, $0x0  }
0xaa: {  	s3 =	rddreg [dreg:$0x2];
	[bflag:$0x3] =	sbarrier.arrive $0xFFFF;
	s2 =	simm.s32 @!p0 $0x1C05  }
0xab: {  	[timem:s3], [sflag:s2] =	dma.local @!p0 [hbm:s0], s1  }
0xac: {  	s0 =	simm.s32 @!p0 $0x5  }
0xad: {  	_ =	swait.ge @!p0 [sflag:s0], s1  }
0xae: {  	s1 =	ssub.s32 @!p0 $0x0, s1;
	[sflag:s0] =	ssyncset.done @!p0 $0x0  }
0xaf: {  	[sflag:s0] =	ssyncadd.s32 @!p0 s1  }
0xb0: {  	[bflag:$0x3] =	sbarrier.arrive $0xFFFF  }
0xb1: {  	_ =	shalt  }

</sc_bundles>
